<compile_context>
chip_gen: v7x
topology: tpu7x:2x2x1
jax: 0.10.2.dev20260603
libtpu: 0.0.44.dev20260713+nightly
codegen_flags: <defaults>
</compile_context>

<pallas_src>
import jax
import jax.numpy as jnp
from jax import lax
from jax.experimental import pallas as pl
from jax.experimental.pallas import tpu as pltpu
from jax.experimental.pallas import tpu_sc as plsc

_L = 16
_NW = 16


def _perm_gather(x, perm):
    dnums = lax.GatherDimensionNumbers(
        offset_dims=(), collapsed_slice_dims=(0,), start_index_map=(0,))
    return lax.gather(x, perm[:, None], dnums, slice_sizes=(1,),
                      mode=lax.GatherScatterMode.PROMISE_IN_BOUNDS)


def _lane_sum(x):
    lanes = lax.broadcasted_iota(jnp.int32, (_L,), 0)
    for k in (8, 4, 2, 1):
        x = x + _perm_gather(x, (lanes + k) & (_L - 1))
    return x


def _make_sc_kernel(B, C, N, KPAD, CH):
    WPB = KPAD // CH
    NV = CH // _L

    def body(flat_h, ind_h, rest_h, out_h,
             ind_v, rest_v, idx0, idx1, val0, val1, part_v, shared, accbuf,
             out_v, sem):
        w = lax.axis_index("s")
        b = w // WPB
        cin = pltpu.async_copy(ind_h.at[pl.ds(w * CH, CH)], ind_v, sem)
        crest = pltpu.async_copy(rest_h.at[pl.ds(w * 3 * CH, 3 * CH)],
                                 rest_v, sem)
        cin.wait()

        off0 = (b * C + 0) * N
        off1 = (b * C + 1) * N

        def build(j, _):
            n = ind_v[pl.ds(j * _L, _L)].astype(jnp.int32)
            idx0[pl.ds(j * _L, _L)] = n + off0
            idx1[pl.ds(j * _L, _L)] = n + off1
            return 0

        lax.fori_loop(0, NV, build, 0, unroll=False)

        cp0 = pltpu.async_copy(flat_h.at[idx0], val0, sem)
        cp1 = pltpu.async_copy(flat_h.at[idx1], val1, sem)
        crest.wait()
        cp0.wait()
        cp1.wait()

        def accum(j, carry):
            accl, accm = carry
            o = j * _L
            mk = rest_v[pl.ds(o, _L)]
            t0 = rest_v[pl.ds(CH + o, _L)]
            t1 = rest_v[pl.ds(2 * CH + o, _L)]
            accl = accl + (jnp.abs(val0[pl.ds(o, _L)] - t0)
                           + jnp.abs(val1[pl.ds(o, _L)] - t1)) * mk
            accm = accm + mk + mk
            return accl, accm

        zero = jnp.zeros((_L,), jnp.float32)
        accl, accm = lax.fori_loop(0, NV, accum, (zero, zero), unroll=False)

        part_v[pl.ds(0, _L)] = accl
        part_v[pl.ds(_L, _L)] = accm
        pltpu.sync_copy(part_v, shared.at[pl.ds(w * 2 * _L, 2 * _L)])
        plsc.subcore_barrier()

        @pl.when(w == 0)
        def _():
            pltpu.sync_copy(shared, accbuf)

            def comb(i, carry):
                al, am = carry
                return (al + accbuf[pl.ds(i * 2 * _L, _L)],
                        am + accbuf[pl.ds(i * 2 * _L + _L, _L)])

            al, am = lax.fori_loop(0, _NW, comb, (zero, zero), unroll=False)
            al = _lane_sum(al)
            am = _lane_sum(am)
            out_v[...] = al / (am + 1e-4)
            pltpu.sync_copy(out_v, out_h)

    mesh = plsc.VectorSubcoreMesh(
        core_axis_name="c", subcore_axis_name="s", num_cores=1,
        num_subcores=_NW)
    return pl.kernel(
        body,
        out_type=jax.ShapeDtypeStruct((_L,), jnp.float32),
        mesh=mesh,
        scratch_types=[
            pltpu.VMEM((CH,), jnp.float32),
            pltpu.VMEM((3 * CH,), jnp.float32),
            pltpu.VMEM((CH,), jnp.int32),
            pltpu.VMEM((CH,), jnp.int32),
            pltpu.VMEM((CH,), jnp.float32),
            pltpu.VMEM((CH,), jnp.float32),
            pltpu.VMEM((2 * _L,), jnp.float32),
            pltpu.VMEM_SHARED((_NW * 2 * _L,), jnp.float32),
            pltpu.VMEM((_NW * 2 * _L,), jnp.float32),
            pltpu.VMEM((_L,), jnp.float32),
            pltpu.SemaphoreType.DMA,
        ],
    )


@jax.jit
def kernel(output, mask, ind, target):
    B, C, D, H, W = output.shape
    K = ind.shape[1]
    N = D * H * W
    WPB = _NW // B
    CH = -(-K // WPB)
    CH = -(CH // -128) * 128
    KPAD = CH * WPB

    flat = output.reshape(B * C * N)
    pad = ((0, 0), (0, KPAD - K))
    indf = jnp.pad(ind.astype(jnp.float32), pad).reshape(_NW, 1, CH)
    mk = jnp.pad(mask, pad).astype(jnp.float32).reshape(_NW, 1, CH)
    tg = jnp.pad(jnp.transpose(target, (0, 2, 1)),
                 ((0, 0), (0, 0), (0, KPAD - K)))
    tg = tg.reshape(B, C, WPB, CH).transpose(0, 2, 1, 3).reshape(_NW, C, CH)
    rest = jnp.concatenate([mk, tg], axis=1).reshape(-1)

    fn = _make_sc_kernel(B, C, N, KPAD, CH)
    res = fn(flat, indf.reshape(-1), rest)
    return res[0]

# --- scband reference (transcript-rebuilt; emitter-appended) ---
"""Pipeline reference for scband-reg-l1-loss-8495445312061 (READ-ONLY COPY).

The authoritative reference and input builder live on the scoring server;
editing this copy changes nothing except your own understanding.
"""

import jax, jax.numpy as jnp
import numpy as np


def setup_inputs(seed: int = 0) -> dict:
    key = jax.random.key(seed)
    k1, k2, k3, k4 = jax.random.split(key, 4)
    B, C, D, H, W = 4, 2, 64, 128, 128
    K = 500
    output = jax.random.normal(k1, (B, C, D, H, W), dtype=jnp.float32)
    mask = jax.random.randint(k2, (B, K), 0, 2, dtype=jnp.int32)
    ind = jax.random.randint(k3, (B, K), 0, D * H * W, dtype=jnp.int64)
    target = jax.random.normal(k4, (B, K, C), dtype=jnp.float32)
    return {"output": output, "mask": mask, "ind": ind, "target": target}


def reference(output, mask, ind, target):
    B, C, D, H, W = output.shape
    K = ind.shape[1]
    # permute(0, 2, 3, 4, 1) then flatten spatial dims -> [B, D*H*W, C]
    feat = jnp.transpose(output, (0, 2, 3, 4, 1)).reshape(B, D * H * W, C)
    # gather along dim 1 with ind expanded to [B, K, C]
    idx = jnp.broadcast_to(ind[:, :, None], (B, K, C))
    pred = jnp.take_along_axis(feat, idx, axis=1)  # [B, K, C]
    m = jnp.broadcast_to(mask[:, :, None].astype(jnp.float32), pred.shape)
    loss = jnp.sum(jnp.abs(pred * m - target * m))
    loss = loss / (jnp.sum(m) + 0.0001)
    return loss

if __name__ == "__main__":
    import jax
    _d = setup_inputs()
    print(jax.jit(kernel)(*tuple(_d.values())))

</pallas_src>

<mosaic_0001>
#map = affine_map<(d0, d1) -> (0)>
module attributes {stable_mosaic.version = 14 : i64} {
  func.func @body(%arg0: i32, %arg1: i32, %arg2: memref<8388608xf32, #tpu.memory_space<hbm>>, %arg3: memref<2048xf32, #tpu.memory_space<hbm>>, %arg4: memref<6144xf32, #tpu.memory_space<hbm>>, %arg5: memref<16xf32, #tpu.memory_space<hbm>>, %arg6: memref<128xf32, #tpu.memory_space<vmem>>, %arg7: memref<384xf32, #tpu.memory_space<vmem>>, %arg8: memref<128xi32, #tpu.memory_space<vmem>>, %arg9: memref<128xi32, #tpu.memory_space<vmem>>, %arg10: memref<128xf32, #tpu.memory_space<vmem>>, %arg11: memref<128xf32, #tpu.memory_space<vmem>>, %arg12: memref<32xf32, #tpu.memory_space<vmem>>, %arg13: memref<512xf32, #tpu.memory_space<vmem_shared>>, %arg14: memref<512xf32, #tpu.memory_space<vmem>>, %arg15: memref<16xf32, #tpu.memory_space<vmem>>, %arg16: memref<!tpu.dma_semaphore, #tpu.memory_space<semaphore_mem>>) attributes {dimension_semantics = [#tpu.dimension_semantics<core_parallel>, #tpu.dimension_semantics<subcore_parallel>], iteration_bounds = array<i64: 1, 16>, scalar_prefetch = 0 : i64, scratch_operands = 11 : i64, tpu.core_type = #tpu.core_type<sc_vector_subcore>, window_params = [{transform_indices = #map}, {transform_indices = #map}, {transform_indices = #map}, {transform_indices = #map}]} {
    %jit3A = arith.constant 4 : i32
    %div3A = arith.divsi %arg1, %jit3A : i32
    %sign3A = arith.constant 0 : i32
    %sign3A_0 = arith.cmpi sgt, %arg1, %sign3A : i32
    %sign3A_1 = arith.extui %sign3A_0 : i1 to i32
    %sign3A_2 = arith.constant 0 : i32
    %sign3A_3 = arith.cmpi slt, %arg1, %sign3A_2 : i32
    %sign3A_4 = arith.extui %sign3A_3 : i1 to i32
    %sign3A_5 = arith.subi %sign3A_1, %sign3A_4 : i32
    %sign3A_6 = arith.constant 0 : i32
    %sign3A_7 = arith.cmpi sgt, %jit3A, %sign3A_6 : i32
    %sign3A_8 = arith.extui %sign3A_7 : i1 to i32
    %sign3A_9 = arith.constant 0 : i32
    %sign3A_10 = arith.cmpi slt, %jit3A, %sign3A_9 : i32
    %sign3A_11 = arith.extui %sign3A_10 : i1 to i32
    %sign3A_12 = arith.subi %sign3A_8, %sign3A_11 : i32
    %ne3A = arith.cmpi ne, %sign3A_5, %sign3A_12 : i32
    %rem3A = arith.remsi %arg1, %jit3A : i32
    %ne3A_13 = arith.constant 0 : i32
    %ne3A_14 = arith.cmpi ne, %rem3A, %ne3A_13 : i32
    %and3A = arith.andi %ne3A, %ne3A_14 : i1
    %sub3A = arith.constant 1 : i32
    %sub3A_15 = arith.subi %div3A, %sub3A : i32
    %select_n3A = arith.select %and3A, %sub3A_15, %div3A : i32
    %mul3A = arith.constant 128 : i32
    %mul3A_16 = arith.muli %arg1, %mul3A : i32
    %dma_start3A = tpu.memref_slice %arg3[%mul3A_16] : memref<2048xf32, #tpu.memory_space<hbm>> -> memref<128xf32, #tpu.memory_space<hbm>>
    %dma_start3A_17 = tpu.memref_slice %arg3[%mul3A_16] : memref<2048xf32, #tpu.memory_space<hbm>> -> memref<128xf32, #tpu.memory_space<hbm>>
    tpu.enqueue_dma source(%dma_start3A_17 : memref<128xf32, #tpu.memory_space<hbm>>) target(%arg6 : memref<128xf32, #tpu.memory_space<vmem>>) target_semaphore(%arg16 : memref<!tpu.dma_semaphore, #tpu.memory_space<semaphore_mem>>)
    %mul3A_18 = arith.constant 3 : i32
    %mul3A_19 = arith.muli %arg1, %mul3A_18 : i32
    %mul3A_20 = arith.constant 128 : i32
    %mul3A_21 = arith.muli %mul3A_19, %mul3A_20 : i32
    %dma_start3A_22 = tpu.memref_slice %arg4[%mul3A_21] : memref<6144xf32, #tpu.memory_space<hbm>> -> memref<384xf32, #tpu.memory_space<hbm>>
    %dma_start3A_23 = tpu.memref_slice %arg4[%mul3A_21] : memref<6144xf32, #tpu.memory_space<hbm>> -> memref<384xf32, #tpu.memory_space<hbm>>
    tpu.enqueue_dma source(%dma_start3A_23 : memref<384xf32, #tpu.memory_space<hbm>>) target(%arg7 : memref<384xf32, #tpu.memory_space<vmem>>) target_semaphore(%arg16 : memref<!tpu.dma_semaphore, #tpu.memory_space<semaphore_mem>>)
    %dma_wait3A = tpu.memref_slice %arg3[%mul3A_16] : memref<2048xf32, #tpu.memory_space<hbm>> -> memref<128xf32, #tpu.memory_space<hbm>>
    %dma_wait3A_24 = tpu.memref_slice %arg3[%mul3A_16] : memref<2048xf32, #tpu.memory_space<hbm>> -> memref<128xf32, #tpu.memory_space<hbm>>
    tpu.wait_dma2 semaphore(%arg16 : memref<!tpu.dma_semaphore, #tpu.memory_space<semaphore_mem>>) src(%dma_wait3A_24 : memref<128xf32, #tpu.memory_space<hbm>>) dst(%arg6 : memref<128xf32, #tpu.memory_space<vmem>>)
    %mul3A_25 = arith.constant 2 : i32
    %mul3A_26 = arith.muli %select_n3A, %mul3A_25 : i32
    %add3A = arith.constant 0 : i32
    %add3A_27 = arith.addi %mul3A_26, %add3A : i32
    %mul3A_28 = arith.constant 1048576 : i32
    %mul3A_29 = arith.muli %add3A_27, %mul3A_28 : i32
    %mul3A_30 = arith.constant 2 : i32
    %mul3A_31 = arith.muli %select_n3A, %mul3A_30 : i32
    %add3A_32 = arith.constant 1 : i32
    %add3A_33 = arith.addi %mul3A_31, %add3A_32 : i32
    %mul3A_34 = arith.constant 1048576 : i32
    %mul3A_35 = arith.muli %add3A_33, %mul3A_34 : i32
    %scan3A = arith.constant 0 : i32
    %scan3A_36 = arith.constant 0 : i32
    %scan3A_37 = arith.constant 8 : i32
    %scan3A_38 = arith.addi %scan3A_36, %scan3A_37 : i32
    %scan3A_39 = arith.constant 1 : i32
    %scan3A_40 = scf.for %scan3A_72 = %scan3A_36 to %scan3A_38 step %scan3A_39 iter_args(%scan3A_73 = %scan3A) -> (i32)  : i32 {
      %mul3A_74 = arith.constant 16 : i32
      %mul3A_75 = arith.muli %scan3A_72, %mul3A_74 : i32
      %get3A = arith.index_cast %mul3A_75 : i32 to index
      %get3A_76 = tpu.vector_load %arg6[%get3A] {strides = array<i32>} : memref<128xf32, #tpu.memory_space<vmem>>, vector<16xf32>,
      %get3A_77 = vector.shape_cast %get3A_76 : vector<16xf32> to vector<16xf32>
      %convert_element_type3A_78 = arith.fptosi %get3A_77 : vector<16xf32> to vector<16xi32>
      %add3A_79 = vector.broadcast %mul3A_29 : i32 to vector<16xi32>
      %add3A_80 = arith.addi %convert_element_type3A_78, %add3A_79 : vector<16xi32>
      %mul3A_81 = arith.constant 16 : i32
      %mul3A_82 = arith.muli %scan3A_72, %mul3A_81 : i32
      %swap3A_83 = arith.index_cast %mul3A_82 : i32 to index
      %swap3A_84 = tpu.vector_load %arg8[%swap3A_83] {strides = array<i32>} : memref<128xi32, #tpu.memory_space<vmem>>, vector<16xi32>,
      %swap3A_85 = vector.shape_cast %swap3A_84 : vector<16xi32> to vector<16xi32>
      %swap3A_86 = vector.shape_cast %add3A_80 : vector<16xi32> to vector<16xi32>
      tpu.vector_store %arg8[%swap3A_83], %swap3A_86 {strides = array<i32>} : memref<128xi32, #tpu.memory_space<vmem>>, vector<16xi32>,
      %add3A_87 = vector.broadcast %mul3A_35 : i32 to vector<16xi32>
      %add3A_88 = arith.addi %convert_element_type3A_78, %add3A_87 : vector<16xi32>
      %mul3A_89 = arith.constant 16 : i32
      %mul3A_90 = arith.muli %scan3A_72, %mul3A_89 : i32
      %swap3A_91 = arith.index_cast %mul3A_90 : i32 to index
      %swap3A_92 = tpu.vector_load %arg9[%swap3A_91] {strides = array<i32>} : memref<128xi32, #tpu.memory_space<vmem>>, vector<16xi32>,
      %swap3A_93 = vector.shape_cast %swap3A_92 : vector<16xi32> to vector<16xi32>
      %swap3A_94 = vector.shape_cast %add3A_88 : vector<16xi32> to vector<16xi32>
      tpu.vector_store %arg9[%swap3A_91], %swap3A_94 {strides = array<i32>} : memref<128xi32, #tpu.memory_space<vmem>>, vector<16xi32>,
      %scan3A_95 = arith.constant 0 : i32
      scf.yield %scan3A_95 : i32
    }
    %scan3A_41 = arith.constant 8 : i32
    %dma_start3A_42 = arith.constant 0 : i32
    %dma_start3A_43 = tpu.memref_slice %arg2[%dma_start3A_42] : memref<8388608xf32, #tpu.memory_space<hbm>> -> memref<8388608xf32, #tpu.memory_space<hbm>>
    tpu.enqueue_indirect_dma source(%dma_start3A_43 : memref<8388608xf32, #tpu.memory_space<hbm>>) target(%arg10 : memref<128xf32, #tpu.memory_space<vmem>>) offsets(%arg8 : memref<128xi32, #tpu.memory_space<vmem>>) semaphore(%arg16 : memref<!tpu.dma_semaphore, #tpu.memory_space<semaphore_mem>>)
    %dma_start3A_44 = arith.constant 0 : i32
    %dma_start3A_45 = tpu.memref_slice %arg2[%dma_start3A_44] : memref<8388608xf32, #tpu.memory_space<hbm>> -> memref<8388608xf32, #tpu.memory_space<hbm>>
    tpu.enqueue_indirect_dma source(%dma_start3A_45 : memref<8388608xf32, #tpu.memory_space<hbm>>) target(%arg11 : memref<128xf32, #tpu.memory_space<vmem>>) offsets(%arg9 : memref<128xi32, #tpu.memory_space<vmem>>) semaphore(%arg16 : memref<!tpu.dma_semaphore, #tpu.memory_space<semaphore_mem>>)
    %dma_wait3A_46 = tpu.memref_slice %arg4[%mul3A_21] : memref<6144xf32, #tpu.memory_space<hbm>> -> memref<384xf32, #tpu.memory_space<hbm>>
    %dma_wait3A_47 = tpu.memref_slice %arg4[%mul3A_21] : memref<6144xf32, #tpu.memory_space<hbm>> -> memref<384xf32, #tpu.memory_space<hbm>>
    tpu.wait_dma2 semaphore(%arg16 : memref<!tpu.dma_semaphore, #tpu.memory_space<semaphore_mem>>) src(%dma_wait3A_47 : memref<384xf32, #tpu.memory_space<hbm>>) dst(%arg7 : memref<384xf32, #tpu.memory_space<vmem>>)
    %dma_wait3A_48 = arith.constant 0 : i32
    %dma_wait3A_49 = tpu.memref_slice %arg2[%dma_wait3A_48] : memref<8388608xf32, #tpu.memory_space<hbm>> -> memref<8388608xf32, #tpu.memory_space<hbm>>
    tpu.wait_indirect_dma semaphore(%arg16 : memref<!tpu.dma_semaphore, #tpu.memory_space<semaphore_mem>>) src(%dma_wait3A_49 : memref<8388608xf32, #tpu.memory_space<hbm>>) dst(%arg10 : memref<128xf32, #tpu.memory_space<vmem>>)
    %dma_wait3A_50 = arith.constant 0 : i32
    %dma_wait3A_51 = tpu.memref_slice %arg2[%dma_wait3A_50] : memref<8388608xf32, #tpu.memory_space<hbm>> -> memref<8388608xf32, #tpu.memory_space<hbm>>
    tpu.wait_indirect_dma semaphore(%arg16 : memref<!tpu.dma_semaphore, #tpu.memory_space<semaphore_mem>>) src(%dma_wait3A_51 : memref<8388608xf32, #tpu.memory_space<hbm>>) dst(%arg11 : memref<128xf32, #tpu.memory_space<vmem>>)
    %broadcast_in_dim3A = arith.constant 0.000000e+00 : f32
    %broadcast_in_dim3A_52 = vector.broadcast %broadcast_in_dim3A : f32 to vector<16xf32>
    %scan3A_53 = arith.constant 0 : i32
    %scan3A_54 = arith.constant 8 : i32
    %scan3A_55 = arith.addi %scan3A_53, %scan3A_54 : i32
    %scan3A_56 = arith.constant 1 : i32
    %scan3A_57:2 = scf.for %scan3A_72 = %scan3A_53 to %scan3A_55 step %scan3A_56 iter_args(%scan3A_73 = %broadcast_in_dim3A_52, %scan3A_74 = %broadcast_in_dim3A_52) -> (vector<16xf32>, vector<16xf32>)  : i32 {
      %mul3A_75 = arith.constant 16 : i32
      %mul3A_76 = arith.muli %scan3A_72, %mul3A_75 : i32
      %get3A = arith.index_cast %mul3A_76 : i32 to index
      %get3A_77 = tpu.vector_load %arg7[%get3A] {strides = array<i32>} : memref<384xf32, #tpu.memory_space<vmem>>, vector<16xf32>,
      %get3A_78 = vector.shape_cast %get3A_77 : vector<16xf32> to vector<16xf32>
      %add3A_79 = arith.constant 128 : i32
      %add3A_80 = arith.addi %add3A_79, %mul3A_76 : i32
      %get3A_81 = arith.index_cast %add3A_80 : i32 to index
      %get3A_82 = tpu.vector_load %arg7[%get3A_81] {strides = array<i32>} : memref<384xf32, #tpu.memory_space<vmem>>, vector<16xf32>,
      %get3A_83 = vector.shape_cast %get3A_82 : vector<16xf32> to vector<16xf32>
      %add3A_84 = arith.constant 256 : i32
      %add3A_85 = arith.addi %add3A_84, %mul3A_76 : i32
      %get3A_86 = arith.index_cast %add3A_85 : i32 to index
      %get3A_87 = tpu.vector_load %arg7[%get3A_86] {strides = array<i32>} : memref<384xf32, #tpu.memory_space<vmem>>, vector<16xf32>,
      %get3A_88 = vector.shape_cast %get3A_87 : vector<16xf32> to vector<16xf32>
      %get3A_89 = arith.index_cast %mul3A_76 : i32 to index
      %get3A_90 = tpu.vector_load %arg10[%get3A_89] {strides = array<i32>} : memref<128xf32, #tpu.memory_space<vmem>>, vector<16xf32>,
      %get3A_91 = vector.shape_cast %get3A_90 : vector<16xf32> to vector<16xf32>
      %sub3A_92 = arith.subf %get3A_91, %get3A_83 : vector<16xf32>
      %abs3A = math.absf %sub3A_92 : vector<16xf32>
      %get3A_93 = arith.index_cast %mul3A_76 : i32 to index
      %get3A_94 = tpu.vector_load %arg11[%get3A_93] {strides = array<i32>} : memref<128xf32, #tpu.memory_space<vmem>>, vector<16xf32>,
      %get3A_95 = vector.shape_cast %get3A_94 : vector<16xf32> to vector<16xf32>
      %sub3A_96 = arith.subf %get3A_95, %get3A_88 : vector<16xf32>
      %abs3A_97 = math.absf %sub3A_96 : vector<16xf32>
      %add3A_98 = arith.addf %abs3A, %abs3A_97 : vector<16xf32>
      %mul3A_99 = arith.mulf %add3A_98, %get3A_78 : vector<16xf32>
      %add3A_100 = arith.addf %scan3A_73, %mul3A_99 : vector<16xf32>
      %add3A_101 = arith.addf %scan3A_74, %get3A_78 : vector<16xf32>
      %add3A_102 = arith.addf %add3A_101, %get3A_78 : vector<16xf32>
      scf.yield %add3A_100, %add3A_102 : vector<16xf32>, vector<16xf32>
    }
    %scan3A_58 = arith.constant 8 : i32
    %swap3A = arith.constant 0 : index
    %swap3A_59 = tpu.vector_load %arg12[%swap3A] {strides = array<i32>} : memref<32xf32, #tpu.memory_space<vmem>>, vector<16xf32>,
    %swap3A_60 = vector.shape_cast %swap3A_59 : vector<16xf32> to vector<16xf32>
    %swap3A_61 = vector.shape_cast %scan3A_57#0 : vector<16xf32> to vector<16xf32>
    tpu.vector_store %arg12[%swap3A], %swap3A_61 {strides = array<i32>} : memref<32xf32, #tpu.memory_space<vmem>>, vector<16xf32>,
    %swap3A_62 = arith.constant 16 : index
    %swap3A_63 = tpu.vector_load %arg12[%swap3A_62] {strides = array<i32>} : memref<32xf32, #tpu.memory_space<vmem>>, vector<16xf32>,
    %swap3A_64 = vector.shape_cast %swap3A_63 : vector<16xf32> to vector<16xf32>
    %swap3A_65 = vector.shape_cast %scan3A_57#1 : vector<16xf32> to vector<16xf32>
    tpu.vector_store %arg12[%swap3A_62], %swap3A_65 {strides = array<i32>} : memref<32xf32, #tpu.memory_space<vmem>>, vector<16xf32>,
    %mul3A_66 = arith.constant 2 : i32
    %mul3A_67 = arith.muli %arg1, %mul3A_66 : i32
    %mul3A_68 = arith.constant 16 : i32
    %mul3A_69 = arith.muli %mul3A_67, %mul3A_68 : i32
    "tpu.region"() ({
      %run_scoped3A = tpu.sem_alloc : memref<!tpu.dma_semaphore, #tpu.memory_space<semaphore_mem>>
      %dma_start3A_72 = tpu.memref_slice %arg13[%mul3A_69] : memref<512xf32, #tpu.memory_space<vmem_shared>> -> memref<32xf32, #tpu.memory_space<vmem_shared>>
      %dma_start3A_73 = tpu.memref_slice %arg13[%mul3A_69] : memref<512xf32, #tpu.memory_space<vmem_shared>> -> memref<32xf32, #tpu.memory_space<vmem_shared>>
      tpu.enqueue_dma source(%arg12 : memref<32xf32, #tpu.memory_space<vmem>>) target(%dma_start3A_73 : memref<32xf32, #tpu.memory_space<vmem_shared>>) target_semaphore(%run_scoped3A : memref<!tpu.dma_semaphore, #tpu.memory_space<semaphore_mem>>)
      %dma_wait3A_74 = tpu.memref_slice %arg13[%mul3A_69] : memref<512xf32, #tpu.memory_space<vmem_shared>> -> memref<32xf32, #tpu.memory_space<vmem_shared>>
      %dma_wait3A_75 = tpu.memref_slice %arg13[%mul3A_69] : memref<512xf32, #tpu.memory_space<vmem_shared>> -> memref<32xf32, #tpu.memory_space<vmem_shared>>
      tpu.wait_dma2 semaphore(%run_scoped3A : memref<!tpu.dma_semaphore, #tpu.memory_space<semaphore_mem>>) src(%arg12 : memref<32xf32, #tpu.memory_space<vmem>>) dst(%dma_wait3A_75 : memref<32xf32, #tpu.memory_space<vmem_shared>>)
      tpu.yield
    }) : () -> ()
    %barrier3A = arith.constant 0 : index
    tpu.barrier barrier_id(%barrier3A)
    %eq3A = arith.constant 0 : i32
    %eq3A_70 = arith.cmpi eq, %arg1, %eq3A : i32
    %convert_element_type3A = arith.extui %eq3A_70 : i1 to i32
    %cond3A = arith.constant 0 : i32
    %cond3A_71 = arith.cmpi ne, %convert_element_type3A, %cond3A : i32
    scf.if %cond3A_71 {
      "tpu.region"() ({
        %run_scoped3A = tpu.sem_alloc : memref<!tpu.dma_semaphore, #tpu.memory_space<semaphore_mem>>
        tpu.enqueue_dma source(%arg13 : memref<512xf32, #tpu.memory_space<vmem_shared>>) target(%arg14 : memref<512xf32, #tpu.memory_space<vmem>>) target_semaphore(%run_scoped3A : memref<!tpu.dma_semaphore, #tpu.memory_space<semaphore_mem>>)
        tpu.wait_dma2 semaphore(%run_scoped3A : memref<!tpu.dma_semaphore, #tpu.memory_space<semaphore_mem>>) src(%arg13 : memref<512xf32, #tpu.memory_space<vmem_shared>>) dst(%arg14 : memref<512xf32, #tpu.memory_space<vmem>>)
        tpu.yield
      }) : () -> ()
      %scan3A_72 = arith.constant 0 : i32
      %scan3A_73 = arith.constant 16 : i32
      %scan3A_74 = arith.addi %scan3A_72, %scan3A_73 : i32
      %scan3A_75 = arith.constant 1 : i32
      %scan3A_76:2 = scf.for %scan3A_166 = %scan3A_72 to %scan3A_74 step %scan3A_75 iter_args(%scan3A_167 = %broadcast_in_dim3A_52, %scan3A_168 = %broadcast_in_dim3A_52) -> (vector<16xf32>, vector<16xf32>)  : i32 {
        %mul3A_169 = arith.constant 2 : i32
        %mul3A_170 = arith.muli %scan3A_166, %mul3A_169 : i32
        %mul3A_171 = arith.constant 16 : i32
        %mul3A_172 = arith.muli %mul3A_170, %mul3A_171 : i32
        %get3A = arith.index_cast %mul3A_172 : i32 to index
        %get3A_173 = tpu.vector_load %arg14[%get3A] {strides = array<i32>} : memref<512xf32, #tpu.memory_space<vmem>>, vector<16xf32>,
        %get3A_174 = vector.shape_cast %get3A_173 : vector<16xf32> to vector<16xf32>
        %add3A_175 = arith.addf %scan3A_167, %get3A_174 : vector<16xf32>
        %mul3A_176 = arith.constant 2 : i32
        %mul3A_177 = arith.muli %scan3A_166, %mul3A_176 : i32
        %mul3A_178 = arith.constant 16 : i32
        %mul3A_179 = arith.muli %mul3A_177, %mul3A_178 : i32
        %add3A_180 = arith.constant 16 : i32
        %add3A_181 = arith.addi %mul3A_179, %add3A_180 : i32
        %get3A_182 = arith.index_cast %add3A_181 : i32 to index
        %get3A_183 = tpu.vector_load %arg14[%get3A_182] {strides = array<i32>} : memref<512xf32, #tpu.memory_space<vmem>>, vector<16xf32>,
        %get3A_184 = vector.shape_cast %get3A_183 : vector<16xf32> to vector<16xf32>
        %add3A_185 = arith.addf %scan3A_168, %get3A_184 : vector<16xf32>
        scf.yield %add3A_175, %add3A_185 : vector<16xf32>, vector<16xf32>
      }
      %scan3A_77 = arith.constant 16 : i32
      %iota3A = tpu.iota {dimensions = array<i32: 0>} : vector<16xi32>
      %add3A_78 = arith.constant 8 : i32
      %add3A_79 = vector.broadcast %add3A_78 : i32 to vector<16xi32>
      %add3A_80 = arith.addi %iota3A, %add3A_79 : vector<16xi32>
      %and3A_81 = arith.constant 15 : i32
      %and3A_82 = vector.broadcast %and3A_81 : i32 to vector<16xi32>
      %and3A_83 = arith.andi %add3A_80, %and3A_82 : vector<16xi32>
      %broadcast_in_dim3A_84 = vector.shape_cast %and3A_83 : vector<16xi32> to vector<16x1xi32>
      %gather3A = vector.shape_cast %broadcast_in_dim3A_84 : vector<16x1xi32> to vector<16xi32>
      %gather3A_85 = tpu.dynamic_gather %scan3A_76#0[%gather3A] in [0] : vector<16xf32>, vector<16xi32> -> vector<16xf32>
      %add3A_86 = arith.addf %scan3A_76#0, %gather3A_85 : vector<16xf32>
      %add3A_87 = arith.constant 4 : i32
      %add3A_88 = vector.broadcast %add3A_87 : i32 to vector<16xi32>
      %add3A_89 = arith.addi %iota3A, %add3A_88 : vector<16xi32>
      %and3A_90 = arith.constant 15 : i32
      %and3A_91 = vector.broadcast %and3A_90 : i32 to vector<16xi32>
      %and3A_92 = arith.andi %add3A_89, %and3A_91 : vector<16xi32>
      %broadcast_in_dim3A_93 = vector.shape_cast %and3A_92 : vector<16xi32> to vector<16x1xi32>
      %gather3A_94 = vector.shape_cast %broadcast_in_dim3A_93 : vector<16x1xi32> to vector<16xi32>
      %gather3A_95 = tpu.dynamic_gather %add3A_86[%gather3A_94] in [0] : vector<16xf32>, vector<16xi32> -> vector<16xf32>
      %add3A_96 = arith.addf %add3A_86, %gather3A_95 : vector<16xf32>
      %add3A_97 = arith.constant 2 : i32
      %add3A_98 = vector.broadcast %add3A_97 : i32 to vector<16xi32>
      %add3A_99 = arith.addi %iota3A, %add3A_98 : vector<16xi32>
      %and3A_100 = arith.constant 15 : i32
      %and3A_101 = vector.broadcast %and3A_100 : i32 to vector<16xi32>
      %and3A_102 = arith.andi %add3A_99, %and3A_101 : vector<16xi32>
      %broadcast_in_dim3A_103 = vector.shape_cast %and3A_102 : vector<16xi32> to vector<16x1xi32>
      %gather3A_104 = vector.shape_cast %broadcast_in_dim3A_103 : vector<16x1xi32> to vector<16xi32>
      %gather3A_105 = tpu.dynamic_gather %add3A_96[%gather3A_104] in [0] : vector<16xf32>, vector<16xi32> -> vector<16xf32>
      %add3A_106 = arith.addf %add3A_96, %gather3A_105 : vector<16xf32>
      %add3A_107 = arith.constant 1 : i32
      %add3A_108 = vector.broadcast %add3A_107 : i32 to vector<16xi32>
      %add3A_109 = arith.addi %iota3A, %add3A_108 : vector<16xi32>
      %and3A_110 = arith.constant 15 : i32
      %and3A_111 = vector.broadcast %and3A_110 : i32 to vector<16xi32>
      %and3A_112 = arith.andi %add3A_109, %and3A_111 : vector<16xi32>
      %broadcast_in_dim3A_113 = vector.shape_cast %and3A_112 : vector<16xi32> to vector<16x1xi32>
      %gather3A_114 = vector.shape_cast %broadcast_in_dim3A_113 : vector<16x1xi32> to vector<16xi32>
      %gather3A_115 = tpu.dynamic_gather %add3A_106[%gather3A_114] in [0] : vector<16xf32>, vector<16xi32> -> vector<16xf32>
      %add3A_116 = arith.addf %add3A_106, %gather3A_115 : vector<16xf32>
      %iota3A_117 = tpu.iota {dimensions = array<i32: 0>} : vector<16xi32>
      %add3A_118 = arith.constant 8 : i32
      %add3A_119 = vector.broadcast %add3A_118 : i32 to vector<16xi32>
      %add3A_120 = arith.addi %iota3A_117, %add3A_119 : vector<16xi32>
      %and3A_121 = arith.constant 15 : i32
      %and3A_122 = vector.broadcast %and3A_121 : i32 to vector<16xi32>
      %and3A_123 = arith.andi %add3A_120, %and3A_122 : vector<16xi32>
      %broadcast_in_dim3A_124 = vector.shape_cast %and3A_123 : vector<16xi32> to vector<16x1xi32>
      %gather3A_125 = vector.shape_cast %broadcast_in_dim3A_124 : vector<16x1xi32> to vector<16xi32>
      %gather3A_126 = tpu.dynamic_gather %scan3A_76#1[%gather3A_125] in [0] : vector<16xf32>, vector<16xi32> -> vector<16xf32>
      %add3A_127 = arith.addf %scan3A_76#1, %gather3A_126 : vector<16xf32>
      %add3A_128 = arith.constant 4 : i32
      %add3A_129 = vector.broadcast %add3A_128 : i32 to vector<16xi32>
      %add3A_130 = arith.addi %iota3A_117, %add3A_129 : vector<16xi32>
      %and3A_131 = arith.constant 15 : i32
      %and3A_132 = vector.broadcast %and3A_131 : i32 to vector<16xi32>
      %and3A_133 = arith.andi %add3A_130, %and3A_132 : vector<16xi32>
      %broadcast_in_dim3A_134 = vector.shape_cast %and3A_133 : vector<16xi32> to vector<16x1xi32>
      %gather3A_135 = vector.shape_cast %broadcast_in_dim3A_134 : vector<16x1xi32> to vector<16xi32>
      %gather3A_136 = tpu.dynamic_gather %add3A_127[%gather3A_135] in [0] : vector<16xf32>, vector<16xi32> -> vector<16xf32>
      %add3A_137 = arith.addf %add3A_127, %gather3A_136 : vector<16xf32>
      %add3A_138 = arith.constant 2 : i32
      %add3A_139 = vector.broadcast %add3A_138 : i32 to vector<16xi32>
      %add3A_140 = arith.addi %iota3A_117, %add3A_139 : vector<16xi32>
      %and3A_141 = arith.constant 15 : i32
      %and3A_142 = vector.broadcast %and3A_141 : i32 to vector<16xi32>
      %and3A_143 = arith.andi %add3A_140, %and3A_142 : vector<16xi32>
      %broadcast_in_dim3A_144 = vector.shape_cast %and3A_143 : vector<16xi32> to vector<16x1xi32>
      %gather3A_145 = vector.shape_cast %broadcast_in_dim3A_144 : vector<16x1xi32> to vector<16xi32>
      %gather3A_146 = tpu.dynamic_gather %add3A_137[%gather3A_145] in [0] : vector<16xf32>, vector<16xi32> -> vector<16xf32>
      %add3A_147 = arith.addf %add3A_137, %gather3A_146 : vector<16xf32>
      %add3A_148 = arith.constant 1 : i32
      %add3A_149 = vector.broadcast %add3A_148 : i32 to vector<16xi32>
      %add3A_150 = arith.addi %iota3A_117, %add3A_149 : vector<16xi32>
      %and3A_151 = arith.constant 15 : i32
      %and3A_152 = vector.broadcast %and3A_151 : i32 to vector<16xi32>
      %and3A_153 = arith.andi %add3A_150, %and3A_152 : vector<16xi32>
      %broadcast_in_dim3A_154 = vector.shape_cast %and3A_153 : vector<16xi32> to vector<16x1xi32>
      %gather3A_155 = vector.shape_cast %broadcast_in_dim3A_154 : vector<16x1xi32> to vector<16xi32>
      %gather3A_156 = tpu.dynamic_gather %add3A_147[%gather3A_155] in [0] : vector<16xf32>, vector<16xi32> -> vector<16xf32>
      %add3A_157 = arith.addf %add3A_147, %gather3A_156 : vector<16xf32>
      %add3A_158 = arith.constant 9.99999974E-5 : f32
      %add3A_159 = vector.broadcast %add3A_158 : f32 to vector<16xf32>
      %add3A_160 = arith.addf %add3A_157, %add3A_159 : vector<16xf32>
      %div3A_161 = arith.divf %add3A_116, %add3A_160 : vector<16xf32>
      %swap3A_162 = arith.constant 0 : index
      %swap3A_163 = tpu.vector_load %arg15[%swap3A_162] {strides = array<i32>} : memref<16xf32, #tpu.memory_space<vmem>>, vector<16xf32>,
      %swap3A_164 = vector.shape_cast %swap3A_163 : vector<16xf32> to vector<16xf32>
      %swap3A_165 = vector.shape_cast %div3A_161 : vector<16xf32> to vector<16xf32>
      tpu.vector_store %arg15[%swap3A_162], %swap3A_165 {strides = array<i32>} : memref<16xf32, #tpu.memory_space<vmem>>, vector<16xf32>,
      "tpu.region"() ({
        %run_scoped3A = tpu.sem_alloc : memref<!tpu.dma_semaphore, #tpu.memory_space<semaphore_mem>>
        tpu.enqueue_dma source(%arg15 : memref<16xf32, #tpu.memory_space<vmem>>) target(%arg5 : memref<16xf32, #tpu.memory_space<hbm>>) target_semaphore(%run_scoped3A : memref<!tpu.dma_semaphore, #tpu.memory_space<semaphore_mem>>)
        tpu.wait_dma2 semaphore(%run_scoped3A : memref<!tpu.dma_semaphore, #tpu.memory_space<semaphore_mem>>) src(%arg15 : memref<16xf32, #tpu.memory_space<vmem>>) dst(%arg5 : memref<16xf32, #tpu.memory_space<hbm>>)
        tpu.yield
      }) : () -> ()
    } else {
    }
    return
  }
}

</mosaic_0001>

<sc_bundles>
// kernel: kernel.3.cloned.1.call-start
scs
__scs_entry_jumppad:
0x0: {  	(pc) =	sbr.rel $0x88, $3  }
0x1: {  	(tag) =	ssettag $0x0;
	lr =	simm.s32 $0x1  }
0x2: {  	[smem:$0x3F9D] =	sst lr;
	_ =	strace $0xD0000000  }
0x3: {  	_ = 	snop  }
0x4: {  	_ = 	snop  }
0x5: {  	_ = 	snop  }
0x6: {  	_ = 	snop  }
0x7: {  	_ = 	snop  }
__scs_overlays_trampoline_lowered:
0x8: {  	[smem:$0x3FAC] =	sst s0  }
0x9: {  	[smem:$0x3FAD] =	sst s1  }
0xa: {  	[smem:$0x3FAE] =	sst s2  }
0xb: {  	[smem:$0x3FAF] =	sst s3  }
0xc: {  	[smem:$0x3FB0] =	sst s4  }
0xd: {  	[smem:$0x3FB1] =	sst s5  }
0xe: {  	[smem:$0x3FB2] =	sst s6  }
0xf: {  	[smem:$0x3FB3] =	sst s7  }
0x10: {  	[smem:$0x3FB4] =	sst s8  }
0x11: {  	[smem:$0x3FB5] =	sst s9;
	s0 =	simm.s32 @!p0 $0x0  }
0x12: {  	s1 =	sld [smem:$0x3F9B];
	s0 =	simm.s32 @p0 $0x1  }
0x13: {  	[smem:$0x3FB6] =	sst s0;
	s0 =	simm.s32 @!p1 $0x0  }
0x14: {  	s2 =	sld [smem:$0x3F9A];
	s0 =	simm.s32 @p1 $0x1  }
0x15: {  	[smem:$0x3FB7] =	sst s0;
	s0 =	simm.s32 @!p2 $0x0  }
0x16: {  	s3 =	sld [smem:$0x3FDB];
	s0 =	simm.s32 @p2 $0x1  }
0x17: {  	s4 =	simm.s32 $0x1BF5;
	[smem:$0x3FB9] =	sst s0  }
0x18: {  	s0 =	sld [smem:$0x3F9C];
	_ =	swait.ge [sflag:s4], $0x0  }
0x19: {  	s7 =	sld [smem:$0x3F9D]  }
0x1a: {  	s8 =	sadd.s32 $0xFFFFE003, lr  }
0x1b: {  	s9 =	sadd.s32 $0xFFFFFEF7, lr;
	s5 =	simm.s32 $0xFFFFFFFF;
	p2 =	slt.u32 s8, $0xFFFFF086  }
0x1c: {  	p1 =	slt.u32 s9, $0xF7A;
	s5 =	simm.s32 @!p2 $0x0  }
0x1d: {  	s5 =	simm.s32 @p1 $0x1;
	p0 =	seq.s32 s7, s2  }
0x1e: {  	s7 =	smul.u32 @!p0 $0xF7A, s2;
	p2 =	seq.s32 @!p0 s5, $0x0  }
0x1f: {  	s9 =	smul.u32 $0xF7A, s1;
	s8 =	simm.s32 @!p0 $0x1BF5;
	p2 =	por !p2, p0  }
0x20: {  	[sflag:s8] =	ssyncset.s32 @!p0 $0xFFFFF086;
	s6 =	sadd.s32 @!p0 s3, s7;
	s7 =	simm.s32 @!p0 $0x108  }
0x21: {  	s3 =	sadd.s32 s3, s9;
	s6 =	sadd.s32 @!p0 $0x88, s6;
	s7 =	simm.s32 @p2 $0x1082  }
0x22: {  	[simem:s7], [sflag:s8] =	dma.local @!p0 [hbm:s6], $0xF7A  }
0x23: {  	s9 =	sor.u32 $0xD0000000, s2;
	s6 =	simm.s32 $0x108;
	_ =	swait.ge @!p0 [sflag:s8], $0x0  }
0x24: {  	s3 =	sadd.s32 $0x88, s3;
	s6 =	simm.s32 @!p1 $0x1082;
	[sflag:s4] =	ssyncset.s32 $0xFFFFF086  }
0x25: {  	[simem:s6], [sflag:s4] =	dma.local [hbm:s3], $0xF7A  }
0x26: {  	[smem:$0x3F9D] =	sst s1;
	(tag) =	ssettag s2;
	_ =	strace s9  }
0x27: {  	s1 =	sld [smem:$0x3FAD]  }
0x28: {  	s2 =	sld [smem:$0x3FAE]  }
0x29: {  	s4 =	sld [smem:$0x3FB0]  }
0x2a: {  	p0 =	seq.s32 s5, $0x0;
	s5 =	sld [smem:$0x3FB1]  }
0x2b: {  	s6 =	sld [smem:$0x3FB2]  }
0x2c: {  	s7 =	sld [smem:$0x3FB3]  }
0x2d: {  	s3 =	simm.s32 $0x108;
	s8 =	sld [smem:$0x3FB4]  }
0x2e: {  	s3 =	simm.s32 @!p0 $0x1082;
	s9 =	sld [smem:$0x3FB5]  }
0x2f: {  	lr =	sadd.s32 s0, s3;
	s0 =	sld [smem:$0x3FAC]  }
0x30: {  	s3 =	sld [smem:$0x3FAF]  }
0x31: {  	[smem:$0x3FB8] =	sst s10  }
0x32: {  	s10 =	sld [smem:$0x3FB6];
	_ =	sdelay $0x3  }
0x33: {  	p0 =	seq.s32 s10, $0x1;
	s10 =	sld [smem:$0x3FB8];
	_ =	sdelay $0x3  }
0x34: {  	[smem:$0x3FB8] =	sst s10  }
0x35: {  	s10 =	sld [smem:$0x3FB7];
	_ =	sdelay $0x3  }
0x36: {  	p1 =	seq.s32 s10, $0x1;
	s10 =	sld [smem:$0x3FB8];
	_ =	sdelay $0x3  }
0x37: {  	[smem:$0x3FB8] =	sst s10  }
0x38: {  	s10 =	sld [smem:$0x3FB9]  }
0x39: {  	_ = 	snop;
	(pc) =	sbr.ind lr, $3  }
0x3a: {  	_ = 	snop  }
0x3b: {  	_ = 	snop  }
0x3c: {  	p2 =	seq.s32 s10, $0x1;
	s10 =	sld [smem:$0x3FB8]  }
0x3d: {  	_ =	shalt  }
0x3e: {  	_ =	shalt  }
0x3f: {  	_ =	shalt  }
0x40: {  	_ =	shalt  }
0x41: {  	_ =	shalt  }
0x42: {  	_ =	shalt  }
0x43: {  	_ =	shalt  }
0x44: {  	_ =	shalt  }
0x45: {  	_ =	shalt  }
0x46: {  	_ =	shalt  }
0x47: {  	_ =	shalt  }
0x48: {  	_ =	shalt  }
0x49: {  	_ =	shalt  }
0x4a: {  	_ =	shalt  }
0x4b: {  	_ =	shalt  }
0x4c: {  	_ =	shalt  }
0x4d: {  	_ =	shalt  }
0x4e: {  	_ =	shalt  }
0x4f: {  	_ =	shalt  }
0x50: {  	_ =	shalt  }
0x51: {  	_ =	shalt  }
0x52: {  	_ =	shalt  }
0x53: {  	_ =	shalt  }
0x54: {  	_ =	shalt  }
0x55: {  	_ =	shalt  }
0x56: {  	_ =	shalt  }
0x57: {  	_ =	shalt  }
0x58: {  	_ =	shalt  }
0x59: {  	_ =	shalt  }
0x5a: {  	_ =	shalt  }
0x5b: {  	_ =	shalt  }
0x5c: {  	_ =	shalt  }
0x5d: {  	_ =	shalt  }
0x5e: {  	_ =	shalt  }
0x5f: {  	_ =	shalt  }
0x60: {  	_ =	shalt  }
0x61: {  	_ =	shalt  }
0x62: {  	_ =	shalt  }
0x63: {  	_ =	shalt  }
0x64: {  	_ =	shalt  }
0x65: {  	_ =	shalt  }
0x66: {  	_ =	shalt  }
0x67: {  	_ =	shalt  }
0x68: {  	_ =	shalt  }
0x69: {  	_ =	shalt  }
0x6a: {  	_ =	shalt  }
0x6b: {  	_ =	shalt  }
0x6c: {  	_ =	shalt  }
0x6d: {  	_ =	shalt  }
0x6e: {  	_ =	shalt  }
0x6f: {  	_ =	shalt  }
0x70: {  	_ =	shalt  }
0x71: {  	_ =	shalt  }
0x72: {  	_ =	shalt  }
0x73: {  	_ =	shalt  }
0x74: {  	_ =	shalt  }
0x75: {  	_ =	shalt  }
0x76: {  	_ =	shalt  }
0x77: {  	_ =	shalt  }
0x78: {  	_ =	shalt  }
0x79: {  	_ =	shalt  }
0x7a: {  	_ =	shalt  }
0x7b: {  	_ =	shalt  }
0x7c: {  	_ =	shalt  }
0x7d: {  	_ =	shalt  }
0x7e: {  	_ =	shalt  }
0x7f: {  	_ =	shalt  }
0x80: {  	_ =	shalt  }
0x81: {  	_ =	shalt  }
0x82: {  	_ =	shalt  }
0x83: {  	_ =	shalt  }
0x84: {  	_ =	shalt  }
0x85: {  	_ =	shalt  }
0x86: {  	_ =	shalt  }
0x87: {  	_ =	shalt  }
.Lfunc_end0:
.L_simem_size_0:
called_computation_lowered:
.L_overlay_start_0:
0x88: {  	s0 =	sld [smem:$0x3FD9]  }
0x89: {  	s1 =	sld [smem:$0x3FFE];
	_ =	sdelay $0x3  }
0x8a: {  	s0 =	sadd.s32 s1, s0  }
0x8b: {  	[smem:$0x3FC4] =	sst s0  }
0x8c: {  	_ = 	snop  }
0x8d: {  	s0 =	sld [smem:$0x3FC9]  }
0x8e: {  	s16 =	sld [smem:$0x3FD0];
	(tm) =	ssettm $0x1  }
0x8f: {  	s2 =	sld [smem:$0x3FFB];
	_ =	sdelay $0x3  }
0x90: {  	_ =	strace s2  }
0x91: {  	s2 =	sld [smem:$0x3FFC];
	_ =	sdelay $0x3  }
0x92: {  	_ =	strace s2  }
0x93: {  	s2 =	sld [smem:$0x3FFD];
	_ =	sdelay $0x3  }
0x94: {  	_ =	strace s2  }
0x95: {  	_ =	strace $0x8FFFFFFF  }
0x96: {  	s17 =	sld [smem:$0x3FDB];
	_ =	sdelay $0x1  }
0x97: {  	s3 =	simm.s32 $_scs_section_size  }
0x98: {  	s4 =	simm.s32 $_size__tile_overlayer_lowered;
	s5 =	simm.s32 $_tile_overlayer_lowered  }
0x99: {  	s20 =	simm.s32 $0x1BFF;
	s19 =	sshll.u32 s5, $0x1;
	s2 =	sadd.s32 s3, s17  }
0x9a: {  	s6 =	simm.s32 $0x0;
	s18 =	sshll.u32 s4, $0x1;
	s4 =	sadd.s32 s19, s2  }
0x9b: {  	[timem:s6], [sflag:s20] =	dma.local [hbm:s4], s18  }
0x9c: {  	_ =	swait.ge [sflag:s20], s18  }
0x9d: {  	s3 =	ssub.s32 $0x0, s18;
	[sflag:s20] =	ssyncset.done $0x0  }
0x9e: {  	[sflag:s20] =	ssyncadd.s32 s3;
	_ =	sdelay $0x1  }
0x9f: {  	s21 =	simm.s32 $0x1B8B  }
0xa0: {  	_ =	swait.ge [sflag:s21], $0x1  }
0xa1: {  	[sflag:s21] =	ssyncset.done $0x0  }
0xa2: {  	s23 =	simm.s32 $0x1B8E;
	s22 =	sld [smem:$0x3FFE];
	[sflag:s21] =	ssyncadd.s32 $0xFFFFFFFF  }
0xa3: {  	s24 =	simm.s32 $execute0_lowered;
	[smem:$0x3FD2] =	sst s23  }
0xa4: {  	s4 =	sshll.u32 s24, $0x1;
	_ =	strace $0x80000046;
	[dreg:$0x1] =	wrdreg $0xFFFFFFFF  }
0xa5: {  	s25 =	simm.s32 $_size_execute0_lowered;
	s2 =	sadd.s32 s2, s4;
	[dreg:$0x0] =	wrdreg $0x0  }
0xa6: {  	s4 =	sshll.u32 s25, $0x1;
	[dreg:$0x2] =	wrdreg s2  }
0xa7: {  	[dreg:$0x3] =	wrdreg s4  }
0xa8: {  	[dreg:$0x4] =	wrdreg $0xC0  }
0xa9: {  	_ =	task [dreg:s6], $0x5FFFF  }
0xaa: {  	[dreg:$0x1] =	wrdreg $0xFFFFFFFF  }
0xab: {  	[dreg:$0x0] =	wrdreg $0x60  }
0xac: {  	[dreg:$0x2] =	wrdreg s0  }
0xad: {  	[dreg:$0x3] =	wrdreg s22  }
0xae: {  	[dreg:$0x4] =	wrdreg s16  }
0xaf: {  	[dreg:$0x5] =	wrdreg $0x4800  }
0xb0: {  	[dreg:$0x6] =	wrdreg $0x9  }
0xb1: {  	_ =	task.clear_ibuf [dreg:s6], $0x7FFFF;
	_ =	strace $0x90000046  }
0xb2: {  	s26 =	simm.s32 $0x9;
	_ =	strace $0x80000048  }
0xb3: {  	_ =	swait.ge [sflag:s26], $0x1  }
0xb4: {  	[sflag:s26] =	ssyncadd.s32 $0xFFFFFFFF  }
0xb5: {  	_ =	strace $0x90000048  }
0xb6: {  	_ =	sfence  }
0xb7: {  	s28 =	sld [smem:$0x0];
	_ =	sdelay $0x1  }
0xb8: {  	s29 =	srdreg.scid  }
0xb9: {  	s30 =	sshll.u32 s29, $0xD;
	s31 =	sshrl.u32 s29, $0x2  }
0xba: {  	s1 =	sand.u32 $0x1, s29;
	s2 =	sand.u32 $0x4000, s30;
	s0 =	sadd.s32 s31, s28  }
0xbb: {  	s1 =	sor.u32 s2, s1;
	s0 =	sshll.u32 s0, $0x11  }
0xbc: {  	s0 =	sor.u32 s0, s1  }
0xbd: {  	s0 =	sadd.s32 $0x8F2B, s0  }
0xbe: {  	[sflag:s0] =	ssyncadd.remote.s32 $0x1  }
0xbf: {  	_ =	sfence.sel $0xFFFF  }
0xc0: {  	[dreg:$0x0] =	wrdreg $0xFFFFFFFF;
	(pc) =	sbr.abs _section_cstart, $3  }
0xc1: {  	[dreg:$0x1] =	wrdreg $0xFFFFFFFF  }
0xc2: {  	_ =	task.clear_ibuf [dreg:s6], $0x2FFFF;
	_ =	strace $0x9FFFFFFF  }
0xc3: {  	(tm) =	ssettm $0x7FFFFFFF  }
tec
execute0_lowered:
.L_overlay_start_1:
0x0: {  	(tag) =	ssettag $0x1  }
0x1: {  	s5 =	rddreg [dreg:$0x0]  }
0x2: {  	s6 =	rddreg [dreg:$0x1]  }
0x3: {  	s1 =	rddreg [dreg:$0x2]  }
0x4: {  	s3 =	rddreg [dreg:$0x3]  }
0x5: {  	s0 =	rddreg [dreg:$0x4];
	s4 =	stileid.u32  }
0x6: {  	s2 =	simm.s32 $0x0;
	s7 =	sshll.u32 s4, $0x4;
	s8 =	smul.u32 $0x30, s4  }
0x7: {  	[smem:$0x7FF] =	sst s2;
	s7 =	sadd.s32 s7, s6  }
0x8: {  	_ =	strace $0x80000047;
	s6 =	sadd.s32 s8, s6;
	s7 =	sadd.s32 $0xA00, s7  }
0x9: {  	[tilespmem:s2], [sflag:$0x1] =	stream.linear.gather [hbm4b:s7+s2], $0x80, $0x38;
	[tilespmem:$0x720] =	vst v63  }
0xa: {  	s22 =	simm.s32 $0x80;
	s23 =	simm.s32 $0x1;
	s6 =	sadd.s32 $0x600, s6  }
0xb: {  	[tilespmem:s22], [sflag:$0x1] =	stream.linear.gather [hbm4b:s6+s2], $0x180, $0x38;
	[tilespmem:$0x720] =	vst v63  }
0xc: {  	_ =	swait.ge [sflag:s23], $0x80  }
0xd: {  	[sflag:s23] =	ssyncset.done $0x0  }
0xe: {  	[sflag:s23] =	ssyncadd.s32 $0xFFFFFF80  }
0xf: {  	v0 =	vld [tilespmem:$0x0];
	_ =	sdelay $0x1  }
0x10: {  	v1 =	vld [tilespmem:$0x10];
	_ =	sdelay $0x1  }
0x11: {  	v2 =	vld [tilespmem:$0x20]  }
0x12: {  	v0 =	vtrunc.f32 v0  }
0x13: {  	s24 =	sshll.u32 s4, $0x13;
	v3 =	vld [tilespmem:$0x30];
	v0 =	vcvt.f32.s32 v0  }
0x14: {  	s8 =	sand.u32 $0x600000, s24;
	v1 =	vtrunc.f32 v1  }
0x15: {  	s9 =	sor.u32 $0x100000, s8;
	v5 =	vld [tilespmem:$0x40];
	v1 =	vcvt.f32.s32 v1;
	v4 =	vadd.s32 s8, v0  }
0x16: {  	v2 =	vtrunc.f32 v2;
	v0 =	vadd.s32 s9, v0;
	[tilespmem:$0x200] =	vst v4  }
0x17: {  	v36 =	vld [tilespmem:$0x50];
	v2 =	vcvt.f32.s32 v2;
	v35 =	vadd.s32 s8, v1;
	[tilespmem:$0x280] =	vst v0  }
0x18: {  	v38 =	vtrunc.f32 v3;
	v37 =	vadd.s32 s9, v1;
	[tilespmem:$0x210] =	vst v35  }
0x19: {  	v40 =	vld [tilespmem:$0x60];
	v39 =	vadd.s32 s8, v2;
	v1 =	vcvt.f32.s32 v38;
	[tilespmem:$0x290] =	vst v37  }
0x1a: {  	v42 =	vtrunc.f32 v5;
	v41 =	vadd.s32 s9, v2;
	[tilespmem:$0x220] =	vst v39  }
0x1b: {  	v44 =	vld [tilespmem:$0x70];
	v2 =	vcvt.f32.s32 v42;
	[tilespmem:$0x2A0] =	vst v41;
	v43 =	vadd.s32 s8, v1  }
0x1c: {  	v46 =	vtrunc.f32 v36;
	v45 =	vadd.s32 s9, v1;
	[tilespmem:$0x230] =	vst v43  }
0x1d: {  	v47 =	vadd.s32 s8, v2;
	v1 =	vcvt.f32.s32 v46;
	[tilespmem:$0x2B0] =	vst v45  }
0x1e: {  	v49 =	vtrunc.f32 v40;
	v48 =	vadd.s32 s9, v2;
	[tilespmem:$0x240] =	vst v47  }
0x1f: {  	v2 =	vcvt.f32.s32 v49;
	[tilespmem:$0x2C0] =	vst v48;
	v50 =	vadd.s32 s8, v1  }
0x20: {  	v52 =	vtrunc.f32 v44;
	v51 =	vadd.s32 s9, v1;
	[tilespmem:$0x250] =	vst v50  }
0x21: {  	v53 =	vadd.s32 s8, v2;
	v1 =	vcvt.f32.s32 v52;
	[tilespmem:$0x2D0] =	vst v51  }
0x22: {  	v54 =	vadd.s32 s9, v2;
	[tilespmem:$0x260] =	vst v53  }
0x23: {  	[tilespmem:$0x2E0] =	vst v54;
	v55 =	vadd.s32 s8, v1  }
0x24: {  	v56 =	vadd.s32 s9, v1;
	[tilespmem:$0x270] =	vst v55  }
0x25: {  	s25 =	simm.s32 $0x200;
	s26 =	simm.s32 $0x300;
	[tilespmem:$0x2F0] =	vst v56  }
0x26: {  	[tilespmem:s26], [sflag:$0x1] =	stream.indirect.gather [hbm4b:s5+s22], $0x1, s25, s22, $0xb8;
	[tilespmem:$0x720] =	vst v63  }
0x27: {  	s28 =	simm.s32 $0x280;
	s29 =	simm.s32 $0x380  }
0x28: {  	[tilespmem:s29], [sflag:$0x1] =	stream.indirect.gather [hbm4b:s5+s22], $0x1, s28, s22, $0xb8;
	[tilespmem:$0x720] =	vst v63  }
0x29: {  	_ =	swait.ge [sflag:s23], $0x180  }
0x2a: {  	[sflag:s23] =	ssyncset.done $0x0  }
0x2b: {  	[sflag:s23] =	ssyncadd.s32 $0xFFFFFE80  }
0x2c: {  	_ =	swait.ge [sflag:s23], $0x80  }
0x2d: {  	[sflag:s23] =	ssyncset.done $0x0  }
0x2e: {  	[sflag:s23] =	ssyncadd.s32 $0xFFFFFF80  }
0x2f: {  	_ =	swait.ge [sflag:s23], $0x80  }
0x30: {  	[sflag:s23] =	ssyncset.done $0x0  }
0x31: {  	[sflag:s23] =	ssyncadd.s32 $0xFFFFFF80  }
0x32: {  	v57 =	vld [tilespmem:$0x80]  }
0x33: {  	v58 =	vld [tilespmem:$0x100]  }
0x34: {  	v59 =	vld [tilespmem:$0x180]  }
0x35: {  	v60 =	vld [tilespmem:$0x300]  }
0x36: {  	v61 =	vld [tilespmem:$0x380]  }
0x37: {  	v62 =	vld [tilespmem:$0x90]  }
0x38: {  	v6 =	vld [tilespmem:$0x110]  }
0x39: {  	v7 =	vld [tilespmem:$0x190]  }
0x3a: {  	v8 =	vld [tilespmem:$0x310]  }
0x3b: {  	v9 =	vld [tilespmem:$0x390]  }
0x3c: {  	v10 =	vld [tilespmem:$0xA0]  }
0x3d: {  	v11 =	vld [tilespmem:$0x120]  }
0x3e: {  	v12 =	vld [tilespmem:$0x1A0]  }
0x3f: {  	v13 =	vld [tilespmem:$0x320]  }
0x40: {  	v14 =	vld [tilespmem:$0x3A0]  }
0x41: {  	v16 =	vld [tilespmem:$0x130]  }
0x42: {  	v17 =	vld [tilespmem:$0x1B0]  }
0x43: {  	v63 =	vld [tilespmem:$0x330]  }
0x44: {  	v18 =	vld [tilespmem:$0x3B0]  }
0x45: {  	v20 =	vld [tilespmem:$0x140]  }
0x46: {  	v25 =	vld [tilespmem:$0x1C0]  }
0x47: {  	v26 =	vld [tilespmem:$0x340]  }
0x48: {  	v29 =	vld [tilespmem:$0x3C0]  }
0x49: {  	v32 =	vld [tilespmem:$0x150]  }
0x4a: {  	v34 =	vld [tilespmem:$0x1D0]  }
0x4b: {  	v35 =	vld [tilespmem:$0x350]  }
0x4c: {  	v37 =	vld [tilespmem:$0x3D0];
	v23 =	vadd.f32 $0.0e+00, v57  }
0x4d: {  	v41 =	vld [tilespmem:$0x1E0];
	v1 =	vsub.f32 v60, v58;
	v2 =	vsub.f32 v61, v59  }
0x4e: {  	v44 =	vld [tilespmem:$0x3E0];
	v24 =	vsub.f32 v8, v6;
	v4 =	vadd.f32 v23, v57  }
0x4f: {  	v46 =	vld [tilespmem:$0x170];
	v7 =	vsub.f32 v9, v7;
	v28 =	vsub.f32 v13, v11  }
0x50: {  	v49 =	vld [tilespmem:$0x370];
	v30 =	vsub.f32 v14, v12;
	v4 =	vadd.f32 v62, v4  }
0x51: {  	v47 =	vld [tilespmem:$0x1F0];
	v3 =	vsub.f32 v63, v16;
	v33 =	vsub.f32 v18, v17  }
0x52: {  	v50 =	vld [tilespmem:$0x3F0];
	v45 =	vsub.f32 v26, v20;
	v4 =	vadd.f32 v4, v62  }
0x53: {  	v15 =	vld [tilespmem:$0xB0];
	v6 =	vsub.f32 v29, v25;
	v5 =	vsub.f32 v35, v32  }
0x54: {  	v48 =	vsub.f32 v37, v34;
	v4 =	vadd.f32 v10, v4  }
0x55: {  	v53 =	vsub.f32 v44, v41;
	v54 =	vsub.f32 v49, v46  }
0x56: {  	v1 =	vand.u32 $0x7FFFFFFF, v1;
	v2 =	vand.u32 $0x7FFFFFFF, v2;
	v4 =	vadd.f32 v4, v10  }
0x57: {  	v19 =	vld [tilespmem:$0xC0];
	v55 =	vsub.f32 v50, v47;
	v1 =	vadd.f32 v2, v1  }
0x58: {  	v27 =	vand.u32 $0x7FFFFFFF, v24;
	v7 =	vand.u32 $0x7FFFFFFF, v7;
	v4 =	vadd.f32 v15, v4  }
0x59: {  	v31 =	vld [tilespmem:$0xD0];
	v11 =	vand.u32 $0x7FFFFFFF, v30;
	v0 =	vmul.f32 v1, v57;
	v1 =	vadd.f32 v7, v27  }
0x5a: {  	v40 =	vld [tilespmem:$0x160];
	v3 =	vand.u32 $0x7FFFFFFF, v3;
	v2 =	vand.u32 $0x7FFFFFFF, v28;
	v4 =	vadd.f32 v4, v15  }
0x5b: {  	v43 =	vld [tilespmem:$0x360];
	v2 =	vadd.f32 v11, v2;
	v0 =	vadd.f32 $0.0e+00, v0;
	v1 =	vmul.f32 v1, v62  }
0x5c: {  	v36 =	vand.u32 $0x7FFFFFFF, v33;
	v6 =	vand.u32 $0x7FFFFFFF, v6;
	v4 =	vadd.f32 v19, v4  }
0x5d: {  	v39 =	vadd.f32 v36, v3;
	v38 =	vmul.f32 v2, v10;
	v0 =	vadd.f32 v1, v0  }
0x5e: {  	v5 =	vand.u32 $0x7FFFFFFF, v5;
	v1 =	vand.u32 $0x7FFFFFFF, v45;
	v4 =	vadd.f32 v4, v19  }
0x5f: {  	v52 =	vld [tilespmem:$0xE0];
	v42 =	vmul.f32 v39, v15;
	v1 =	vadd.f32 v6, v1;
	v0 =	vadd.f32 v38, v0  }
0x60: {  	v51 =	vand.u32 $0x7FFFFFFF, v48;
	v2 =	vsub.f32 v43, v40;
	v4 =	vadd.f32 v31, v4  }
0x61: {  	v5 =	vadd.f32 v51, v5;
	v1 =	vmul.f32 v1, v19;
	v0 =	vadd.f32 v42, v0  }
0x62: {  	v56 =	vld [tilespmem:$0xF0];
	v3 =	vand.u32 $0x7FFFFFFF, v53;
	v2 =	vand.u32 $0x7FFFFFFF, v2;
	v4 =	vadd.f32 v4, v31  }
0x63: {  	v57 =	vmul.f32 v5, v31;
	v2 =	vadd.f32 v3, v2;
	v0 =	vadd.f32 v1, v0  }
0x64: {  	v59 =	vand.u32 $0x7FFFFFFF, v54;
	v60 =	vand.u32 $0x7FFFFFFF, v55;
	v58 =	vadd.f32 v52, v4  }
0x65: {  	v61 =	vadd.f32 v60, v59;
	v2 =	vmul.f32 v2, v52;
	v0 =	vadd.f32 v57, v0  }
0x66: {  	v3 =	vadd.f32 v58, v52  }
0x67: {  	v1 =	vmul.f32 v61, v56;
	v0 =	vadd.f32 v2, v0  }
0x68: {  	v62 =	vadd.f32 v56, v3  }
0x69: {  	v0 =	vadd.f32 v1, v0  }
0x6a: {  	v63 =	vadd.f32 v62, v56  }
0x6b: {  	s30 =	sshll.u32 s4, $0x5;
	[tilespmem:$0x400] =	vst v0  }
0x6c: {  	s31 =	simm.s32 $0x400;
	s5 =	sadd.s32 s30, s3;
	[tilespmem:$0x410] =	vst v63  }
0x6d: {  	[spmem:s5] =	stream.linear.scatter [tilespmem:s31], [sflag:$0x2], $0x20, $0x38;
	[tilespmem:$0x720] =	vst v63  }
0x6e: {  	s5 =	simm.s32 $0x2  }
0x6f: {  	_ =	swait.ge [sflag:s5], $0x20  }
0x70: {  	[sflag:s5] =	ssyncset.done $0x0  }
0x71: {  	[sflag:s5] =	ssyncadd.s32 $0xFFFFFFE0  }
0x72: {  	p0 =	sne.s32 s4, $0x0;
	[bflag:$0x0] =	sbarrier.arrive $0xFFFF  }
0x73: {  	_ =	sfence.sel @p0 $0x180000  }
0x74: {  	[bflag:$0x0] =	sbarrier.arrive @p0 $0xFFFF  }
0x75: {  	_ =	strace @p0 $0x90000047  }
0x76: {  	[bflag:$0x2] =	sbarrier.arrive @p0 $0xFFFF  }
0x77: {  	_ =	shalt @p0  }
.LBB2_1:
0x78: {  	s4 =	simm.s32 $0x4A0  }
0x79: {  	[tilespmem:s4], [sflag:$0x2] =	stream.linear.gather [spmem:s3], $0x200, $0x38;
	[tilespmem:$0x720] =	vst v63  }
0x7a: {  	_ =	swait.ge [sflag:s5], $0x200  }
0x7b: {  	[sflag:s5] =	ssyncset.done $0x0  }
0x7c: {  	[sflag:s5] =	ssyncadd.s32 $0xFFFFFE00  }
0x7d: {  	v0 =	vld [tilespmem:$0x4B0];
	_ =	sdelay $0x1  }
0x7e: {  	v1 =	vld [tilespmem:$0x4D0];
	_ =	sdelay $0x1  }
0x7f: {  	v2 =	vld [tilespmem:$0x4F0]  }
0x80: {  	v0 =	vadd.f32 $0.0e+00, v0  }
0x81: {  	v3 =	vld [tilespmem:$0x510]  }
0x82: {  	v0 =	vadd.f32 v1, v0  }
0x83: {  	v21 =	vld [tilespmem:$0x530]  }
0x84: {  	v0 =	vadd.f32 v2, v0  }
0x85: {  	v22 =	vld [tilespmem:$0x550]  }
0x86: {  	v4 =	vld [tilespmem:$0x4A0];
	v0 =	vadd.f32 v3, v0  }
0x87: {  	v24 =	vld [tilespmem:$0x570]  }
0x88: {  	v5 =	vld [tilespmem:$0x4C0];
	v0 =	vadd.f32 v21, v0  }
0x89: {  	v26 =	vld [tilespmem:$0x590]  }
0x8a: {  	v6 =	vld [tilespmem:$0x4E0];
	v0 =	vadd.f32 v22, v0  }
0x8b: {  	v28 =	vld [tilespmem:$0x5B0]  }
0x8c: {  	v7 =	vld [tilespmem:$0x500];
	v23 =	vadd.f32 $0.0e+00, v4;
	v0 =	vadd.f32 v24, v0  }
0x8d: {  	v30 =	vld [tilespmem:$0x5D0]  }
0x8e: {  	v27 =	vld [tilespmem:$0x520];
	v25 =	vadd.f32 v5, v23;
	v0 =	vadd.f32 v26, v0  }
0x8f: {  	v32 =	vld [tilespmem:$0x5F0]  }
0x90: {  	v29 =	vld [tilespmem:$0x540];
	v1 =	vadd.f32 v6, v25;
	v0 =	vadd.f32 v28, v0  }
0x91: {  	v34 =	vld [tilespmem:$0x610]  }
0x92: {  	v31 =	vld [tilespmem:$0x560];
	v1 =	vadd.f32 v7, v1;
	v0 =	vadd.f32 v30, v0  }
0x93: {  	v36 =	vld [tilespmem:$0x630]  }
0x94: {  	v33 =	vld [tilespmem:$0x580];
	v1 =	vadd.f32 v27, v1;
	v0 =	vadd.f32 v32, v0  }
0x95: {  	v38 =	vld [tilespmem:$0x650]  }
0x96: {  	v35 =	vld [tilespmem:$0x5A0];
	v1 =	vadd.f32 v29, v1;
	v0 =	vadd.f32 v34, v0  }
0x97: {  	v40 =	vld [tilespmem:$0x670]  }
0x98: {  	v41 =	vimm.s32 $0xFEDCBA98;
	v37 =	vld [tilespmem:$0x5C0];
	v1 =	vadd.f32 v31, v1;
	v0 =	vadd.f32 v36, v0  }
0x99: {  	v43 =	vimm.s32 $0x76543210;
	v42 =	vld [tilespmem:$0x690];
	v4 =	vunpack.c.l.s4.s8 v41  }
0x9a: {  	v6 =	vunpack.c.l.s4.s8 v43;
	v1 =	vadd.f32 v33, v1;
	v0 =	vadd.f32 v38, v0  }
0x9b: {  	v47 =	vimm.s32 $0x3210FEDC;
	v48 =	vimm.s32 $0xBA987654;
	v39 =	vld [tilespmem:$0x5E0];
	v45 =	vunpack.c.0.s8.s32 v4  }
0x9c: {  	v46 =	vunpack.c.0.s8.s32 v6;
	v1 =	vadd.f32 v35, v1;
	v0 =	vadd.f32 v40, v0  }
0x9d: {  	v44 =	vld [tilespmem:$0x600];
	v5 =	vunpack.c.l.s4.s8 v47;
	v2 =	vand.u32 $0xF, v45;
	v6 =	vunpack.c.l.s4.s8 v48  }
0x9e: {  	v2 =	vcombine.low v2, v46;
	v1 =	vadd.f32 v37, v1;
	v0 =	vadd.f32 v42, v0  }
0x9f: {  	v51 =	vimm.s32 $0x10FEDCBA;
	v8 =	vld [tilespmem:$0x620];
	v49 =	vunpack.c.0.s8.s32 v5;
	v50 =	vunpack.c.0.s8.s32 v6  }
0xa0: {  	v52 =	vimm.s32 $0x98765432;
	v1 =	vadd.f32 v39, v1;
	v53 =	vperm.xlane v0, v2  }
0xa1: {  	v54 =	vunpack.c.l.s4.s8 v51;
	v55 =	vunpack.c.l.s4.s8 v52;
	v9 =	vld [tilespmem:$0x640];
	v3 =	vcombine.low v50, v49  }
0xa2: {  	v57 =	vimm.s32 $0xFEDCBA9;
	v1 =	vadd.f32 v44, v1;
	v0 =	vadd.f32 v53, v0  }
0xa3: {  	v56 =	vld [tilespmem:$0x660];
	v4 =	vunpack.c.0.s8.s32 v54;
	v5 =	vunpack.c.0.s8.s32 v55;
	v3 =	vand.u32 $0xF, v3  }
0xa4: {  	v58 =	vimm.s32 $0x87654321;
	v1 =	vadd.f32 v8, v1;
	v10 =	vperm.xlane v0, v3  }
0xa5: {  	v59 =	vld [tilespmem:$0x680];
	v4 =	vcombine.low v5, v4;
	v7 =	vunpack.c.l.s4.s8 v57;
	v8 =	vunpack.c.l.s4.s8 v58  }
0xa6: {  	v1 =	vadd.f32 v9, v1;
	v0 =	vadd.f32 v10, v0  }
0xa7: {  	v4 =	vand.u32 $0xF, v4;
	v7 =	vunpack.c.0.s8.s32 v7;
	v8 =	vunpack.c.0.s8.s32 v8  }
0xa8: {  	v1 =	vadd.f32 v56, v1;
	v60 =	vperm.xlane v0, v4  }
0xa9: {  	v7 =	vcombine.low v8, v7  }
0xaa: {  	v1 =	vadd.f32 v59, v1;
	v0 =	vadd.f32 v60, v0  }
0xab: {  	v61 =	vand.u32 $0xF, v7  }
0xac: {  	v2 =	vperm.xlane v1, v2;
	v6 =	vperm.xlane v0, v61;
	_ =	sdelay $0x1  }
0xad: {  	v1 =	vadd.f32 v2, v1;
	v0 =	vadd.f32 v6, v0;
	_ =	sdelay $0x1  }
0xae: {  	v2 =	vperm.xlane v1, v3;
	v0 =	vadd.f32 $9.999999740e-05, v0;
	_ =	sdelay $0x1  }
0xaf: {  	v1 =	vadd.f32 v2, v1;
	(erf) = vrcp.f32 v0;
	_ =	sdelay $0x1  }
0xb0: {  	v62 =	vperm.xlane v1, v4;
	_ =	sdelay $0x1  }
0xb1: {  	v0 =	vadd.f32 v62, v1;
	_ =	sdelay $0x1  }
0xb2: {  	v1 =	vperm.xlane v0, v61;
	_ =	sdelay $0x1  }
0xb3: {  	v0 =	vadd.f32 v1, v0  }
0xb4: {  	v63 =	vpop (erf)  }
0xb5: {  	v0 =	vmul.f32 v63, v0;
	_ =	sdelay $0x1  }
0xb6: {  	s31 =	simm.s32 $0x6A0;
	[tilespmem:$0x6A0] =	vst v0  }
0xb7: {  	[hbm4b:s1+s2] =	stream.linear.scatter [tilespmem:s31], [sflag:$0x2], $0x80, $0x38;
	[tilespmem:$0x720] =	vst v63  }
0xb8: {  	_ =	swait.ge [sflag:s5], $0x80  }
0xb9: {  	[sflag:s5] =	ssyncset.done $0x0  }
0xba: {  	[sflag:s5] =	ssyncadd.s32 $0xFFFFFF80  }
0xbb: {  	_ =	sfence.sel $0x180000  }
0xbc: {  	[bflag:$0x0] =	sbarrier.arrive $0xFFFF  }
0xbd: {  	_ =	strace $0x90000047  }
0xbe: {  	s0 =	sadd.s32 $0x100000, s0;
	[bflag:$0x2] =	sbarrier.arrive $0xFFFF  }
0xbf: {  	[sflag:s0] =	ssyncadd.tile.s32 $0x1;
	_ =	shalt  }
.Lfunc_end2:
_tile_overlayer_lowered:
.L_overlay_start_2:
0xc0: {  	(tag) =	ssettag $0x2  }
0xc1: {  	s0 =	rddreg [dreg:$0x0];
	s2 =	stileid.u32  }
0xc2: {  	s1 =	rddreg [dreg:$0x1];
	p0 =	sne.s32 s2, $0x0  }
0xc3: {  	s3 =	rddreg [dreg:$0x2];
	[bflag:$0x3] =	sbarrier.arrive $0xFFFF;
	s2 =	simm.s32 @!p0 $0x1C02  }
0xc4: {  	[timem:s3], [sflag:s2] =	dma.local @!p0 [hbm:s0], s1  }
0xc5: {  	s0 =	simm.s32 @!p0 $0x2  }
0xc6: {  	_ =	swait.ge @!p0 [sflag:s0], s1  }
0xc7: {  	s1 =	ssub.s32 @!p0 $0x0, s1;
	[sflag:s0] =	ssyncset.done @!p0 $0x0  }
0xc8: {  	[sflag:s0] =	ssyncadd.s32 @!p0 s1  }
0xc9: {  	[bflag:$0x3] =	sbarrier.arrive $0xFFFF  }
0xca: {  	_ =	shalt  }

</sc_bundles>
